<compile_context>
chip_gen: v7x
topology: tpu7x:2x2x1
jax: 0.10.2.dev20260603
libtpu: 0.0.44.dev20260713+nightly
codegen_flags: <defaults>
</compile_context>

<pallas_src>
import functools

import jax
import jax.numpy as jnp
from jax import lax
from jax.experimental import pallas as pl
from jax.experimental.pallas import tpu as pltpu
from jax.experimental.pallas import tpu_sc as plsc



@functools.lru_cache(maxsize=None)
def _make_matvec3(V, D, blk):
    assert blk % 8 == 0
    vb = blk // 8
    grid = pl.cdiv(V // 8, vb)

    def body(t_ref, w_ref, s_ref):
        t = t_ref[...].reshape(blk, D)
        res = lax.dot_general(
            w_ref[...], t,
            dimension_numbers=(((1,), (1,)), ((), ())),
            preferred_element_type=jnp.float32,
        )
        s_ref[...] = res[None]

    return pl.pallas_call(
        body,
        grid=(grid,),
        in_specs=[
            pl.BlockSpec((vb, 8, D), lambda i: (i, 0, 0)),
            pl.BlockSpec((1, D), lambda i: (0, 0)),
        ],
        out_specs=pl.BlockSpec((1, 1, blk), lambda i: (i, 0, 0)),
        out_shape=jax.ShapeDtypeStruct((grid, 1, blk), jnp.float32),
    )



@functools.lru_cache(maxsize=None)
def _make_pool(B, H):
    info = plsc.get_sparse_core_info()
    NC, NS, L = info.num_cores, info.num_subcores, info.num_lanes
    NW = NC * NS
    rows_w = B // NW
    idx_w = rows_w * H
    groups = rows_w // L

    mesh = plsc.VectorSubcoreMesh(core_axis_name="c", subcore_axis_name="s")

    @functools.partial(
        pl.kernel,
        mesh=mesh,
        out_type=jax.ShapeDtypeStruct((B,), jnp.float32),
        scratch_types=[
            pltpu.VMEM((idx_w,), jnp.int32),
            pltpu.VMEM((idx_w,), jnp.float32),
            pltpu.VMEM((rows_w,), jnp.float32),
            pltpu.VMEM((L,), jnp.float32),
            pltpu.SemaphoreType.DMA,
        ],
    )
    def pool(idx_hbm, s_hbm, bias_hbm, out_hbm, idx_v, vals_v, acc_v,
             bias_v, sem):
        wid = lax.axis_index("s") * NC + lax.axis_index("c")
        pltpu.sync_copy(bias_hbm, bias_v)
        pltpu.sync_copy(idx_hbm.at[pl.ds(wid * idx_w, idx_w)], idx_v)
        pltpu.async_copy(s_hbm.at[idx_v], vals_v, sem).wait()

        bias = bias_v[...]
        inv = jnp.float32(1.0 / H)

        def group(g, carry):
            col = g * L
            acc = jnp.zeros((L,), jnp.float32)
            for l in range(H):
                acc = acc + vals_v[pl.ds(l * rows_w + col, L)]
            x = acc * inv + bias
            y = 1.0 / (1.0 + jnp.exp(-x))
            acc_v[pl.ds(col, L)] = y
            return carry

        lax.fori_loop(0, groups, group, 0)
        pltpu.sync_copy(acc_v, out_hbm.at[pl.ds(wid * rows_w, rows_w)])

    return pool


def kernel(sentance, table, fc1_w, fc1_b):
    B, H = sentance.shape
    V, D = table.shape
    blk = 32768
    s = _make_matvec3(V, D, blk)(
        table.reshape(V // 8, 8, D), fc1_w).reshape(-1)
    bias16 = jnp.broadcast_to(fc1_b.astype(jnp.float32), (16,))
    nw = 32
    rows_w = B // nw
    idx_t = sentance.reshape(nw, rows_w, H).transpose(0, 2, 1).reshape(-1)
    out = _make_pool(B, H)(idx_t, s, bias16)
    return out.reshape(B, 1)

# --- scband reference (transcript-rebuilt; emitter-appended) ---
"""Pipeline reference for scband-baseline-31636729102349 (READ-ONLY COPY).

The authoritative reference and input builder live on the scoring server;
editing this copy changes nothing except your own understanding.
"""

import jax, jax.numpy as jnp
import numpy as np

VOCAB = 1000000
EMBED_DIM = 64
BATCH = 16384
HIST = 50

def setup_inputs(seed: int = 0) -> dict:
    key = jax.random.key(seed)
    k1, k2, k3, k4 = jax.random.split(key, 4)
    sentance = jax.random.randint(k1, (BATCH, HIST), 0, VOCAB, dtype=jnp.int64 if jax.config.jax_enable_x64 else jnp.int32).astype(jnp.int32)
    table = jax.random.normal(k2, (VOCAB, EMBED_DIM), dtype=jnp.float32) * 0.02
    fc1_w = jax.random.normal(k3, (1, EMBED_DIM), dtype=jnp.float32) * (1.0 / np.sqrt(EMBED_DIM))
    fc1_b = jax.random.normal(k4, (1,), dtype=jnp.float32) * 0.01
    return {"sentance": sentance, "table": table, "fc1_w": fc1_w, "fc1_b": fc1_b}

def reference(sentance, table, fc1_w, fc1_b):
    # x = embedding(sentance)  -> gather rows from pretrained table
    x = jnp.take(table, sentance, axis=0)            # [B, L, D]
    # x = x.mean(1)
    x = jnp.mean(x, axis=1)                          # [B, D]
    # x = fc1(x)  (nn.Linear: x @ W.T + b)
    x = x @ fc1_w.T + fc1_b                          # [B, 1]
    # sigmoid
    x = jax.nn.sigmoid(x)
    return x

if __name__ == "__main__":
    import jax
    _d = setup_inputs()
    print(jax.jit(kernel)(*tuple(_d.values())))

</pallas_src>

<mosaic_0001>
#map = affine_map<(d0, d1) -> (0)>
module attributes {stable_mosaic.version = 14 : i64} {
  func.func @pool(%arg0: i32, %arg1: i32, %arg2: memref<819200xi32, #tpu.memory_space<hbm>>, %arg3: memref<1015808xf32, #tpu.memory_space<hbm>>, %arg4: memref<16xf32, #tpu.memory_space<hbm>>, %arg5: memref<16384xf32, #tpu.memory_space<hbm>>, %arg6: memref<25600xi32, #tpu.memory_space<vmem>>, %arg7: memref<25600xf32, #tpu.memory_space<vmem>>, %arg8: memref<512xf32, #tpu.memory_space<vmem>>, %arg9: memref<16xf32, #tpu.memory_space<vmem>>, %arg10: memref<!tpu.dma_semaphore, #tpu.memory_space<semaphore_mem>>) attributes {dimension_semantics = [#tpu.dimension_semantics<core_parallel>, #tpu.dimension_semantics<subcore_parallel>], iteration_bounds = array<i64: 2, 16>, scalar_prefetch = 0 : i64, scratch_operands = 5 : i64, tpu.core_type = #tpu.core_type<sc_vector_subcore>, window_params = [{transform_indices = #map}, {transform_indices = #map}, {transform_indices = #map}, {transform_indices = #map}]} {
    %mul3A = arith.constant 2 : i32
    %mul3A_0 = arith.muli %arg1, %mul3A : i32
    %add3A = arith.addi %mul3A_0, %arg0 : i32
    "tpu.region"() ({
      %run_scoped3A = tpu.sem_alloc : memref<!tpu.dma_semaphore, #tpu.memory_space<semaphore_mem>>
      tpu.enqueue_dma source(%arg4 : memref<16xf32, #tpu.memory_space<hbm>>) target(%arg9 : memref<16xf32, #tpu.memory_space<vmem>>) target_semaphore(%run_scoped3A : memref<!tpu.dma_semaphore, #tpu.memory_space<semaphore_mem>>)
      tpu.wait_dma2 semaphore(%run_scoped3A : memref<!tpu.dma_semaphore, #tpu.memory_space<semaphore_mem>>) src(%arg4 : memref<16xf32, #tpu.memory_space<hbm>>) dst(%arg9 : memref<16xf32, #tpu.memory_space<vmem>>)
      tpu.yield
    }) : () -> ()
    %mul3A_1 = arith.constant 25600 : i32
    %mul3A_2 = arith.muli %add3A, %mul3A_1 : i32
    "tpu.region"() ({
      %run_scoped3A = tpu.sem_alloc : memref<!tpu.dma_semaphore, #tpu.memory_space<semaphore_mem>>
      %dma_start3A_15 = tpu.memref_slice %arg2[%mul3A_2] : memref<819200xi32, #tpu.memory_space<hbm>> -> memref<25600xi32, #tpu.memory_space<hbm>>
      %dma_start3A_16 = tpu.memref_slice %arg2[%mul3A_2] : memref<819200xi32, #tpu.memory_space<hbm>> -> memref<25600xi32, #tpu.memory_space<hbm>>
      tpu.enqueue_dma source(%dma_start3A_16 : memref<25600xi32, #tpu.memory_space<hbm>>) target(%arg6 : memref<25600xi32, #tpu.memory_space<vmem>>) target_semaphore(%run_scoped3A : memref<!tpu.dma_semaphore, #tpu.memory_space<semaphore_mem>>)
      %dma_wait3A_17 = tpu.memref_slice %arg2[%mul3A_2] : memref<819200xi32, #tpu.memory_space<hbm>> -> memref<25600xi32, #tpu.memory_space<hbm>>
      %dma_wait3A_18 = tpu.memref_slice %arg2[%mul3A_2] : memref<819200xi32, #tpu.memory_space<hbm>> -> memref<25600xi32, #tpu.memory_space<hbm>>
      tpu.wait_dma2 semaphore(%run_scoped3A : memref<!tpu.dma_semaphore, #tpu.memory_space<semaphore_mem>>) src(%dma_wait3A_18 : memref<25600xi32, #tpu.memory_space<hbm>>) dst(%arg6 : memref<25600xi32, #tpu.memory_space<vmem>>)
      tpu.yield
    }) : () -> ()
    %dma_start3A = arith.constant 0 : i32
    %dma_start3A_3 = tpu.memref_slice %arg3[%dma_start3A] : memref<1015808xf32, #tpu.memory_space<hbm>> -> memref<1015808xf32, #tpu.memory_space<hbm>>
    tpu.enqueue_indirect_dma source(%dma_start3A_3 : memref<1015808xf32, #tpu.memory_space<hbm>>) target(%arg7 : memref<25600xf32, #tpu.memory_space<vmem>>) offsets(%arg6 : memref<25600xi32, #tpu.memory_space<vmem>>) semaphore(%arg10 : memref<!tpu.dma_semaphore, #tpu.memory_space<semaphore_mem>>)
    %dma_wait3A = arith.constant 0 : i32
    %dma_wait3A_4 = tpu.memref_slice %arg3[%dma_wait3A] : memref<1015808xf32, #tpu.memory_space<hbm>> -> memref<1015808xf32, #tpu.memory_space<hbm>>
    tpu.wait_indirect_dma semaphore(%arg10 : memref<!tpu.dma_semaphore, #tpu.memory_space<semaphore_mem>>) src(%dma_wait3A_4 : memref<1015808xf32, #tpu.memory_space<hbm>>) dst(%arg7 : memref<25600xf32, #tpu.memory_space<vmem>>)
    %get3A = arith.constant 0 : index
    %get3A_5 = tpu.vector_load %arg9[%get3A] {strides = array<i32>} : memref<16xf32, #tpu.memory_space<vmem>>, vector<16xf32>,
    %get3A_6 = vector.shape_cast %get3A_5 : vector<16xf32> to vector<16xf32>
    %scan3A = arith.constant 0 : i32
    %scan3A_7 = arith.constant 2.000000e-02 : f32
    %scan3A_8 = arith.constant 0 : i32
    %scan3A_9 = arith.constant 32 : i32
    %scan3A_10 = arith.addi %scan3A_8, %scan3A_9 : i32
    %scan3A_11 = arith.constant 1 : i32
    scf.for %scan3A_15 = %scan3A_8 to %scan3A_10 step %scan3A_11  : i32 {
      %mul3A_16 = arith.constant 16 : i32
      %mul3A_17 = arith.muli %scan3A_15, %mul3A_16 : i32
      %broadcast_in_dim3A = arith.constant 0.000000e+00 : f32
      %broadcast_in_dim3A_18 = vector.broadcast %broadcast_in_dim3A : f32 to vector<16xf32>
      %add3A_19 = arith.constant 0 : i32
      %add3A_20 = arith.addi %add3A_19, %mul3A_17 : i32
      %get3A_21 = arith.index_cast %add3A_20 : i32 to index
      %get3A_22 = tpu.vector_load %arg7[%get3A_21] {strides = array<i32>} : memref<25600xf32, #tpu.memory_space<vmem>>, vector<16xf32>,
      %get3A_23 = vector.shape_cast %get3A_22 : vector<16xf32> to vector<16xf32>
      %add3A_24 = arith.addf %broadcast_in_dim3A_18, %get3A_23 : vector<16xf32>
      %add3A_25 = arith.constant 512 : i32
      %add3A_26 = arith.addi %add3A_25, %mul3A_17 : i32
      %get3A_27 = arith.index_cast %add3A_26 : i32 to index
      %get3A_28 = tpu.vector_load %arg7[%get3A_27] {strides = array<i32>} : memref<25600xf32, #tpu.memory_space<vmem>>, vector<16xf32>,
      %get3A_29 = vector.shape_cast %get3A_28 : vector<16xf32> to vector<16xf32>
      %add3A_30 = arith.addf %add3A_24, %get3A_29 : vector<16xf32>
      %add3A_31 = arith.constant 1024 : i32
      %add3A_32 = arith.addi %add3A_31, %mul3A_17 : i32
      %get3A_33 = arith.index_cast %add3A_32 : i32 to index
      %get3A_34 = tpu.vector_load %arg7[%get3A_33] {strides = array<i32>} : memref<25600xf32, #tpu.memory_space<vmem>>, vector<16xf32>,
      %get3A_35 = vector.shape_cast %get3A_34 : vector<16xf32> to vector<16xf32>
      %add3A_36 = arith.addf %add3A_30, %get3A_35 : vector<16xf32>
      %add3A_37 = arith.constant 1536 : i32
      %add3A_38 = arith.addi %add3A_37, %mul3A_17 : i32
      %get3A_39 = arith.index_cast %add3A_38 : i32 to index
      %get3A_40 = tpu.vector_load %arg7[%get3A_39] {strides = array<i32>} : memref<25600xf32, #tpu.memory_space<vmem>>, vector<16xf32>,
      %get3A_41 = vector.shape_cast %get3A_40 : vector<16xf32> to vector<16xf32>
      %add3A_42 = arith.addf %add3A_36, %get3A_41 : vector<16xf32>
      %add3A_43 = arith.constant 2048 : i32
      %add3A_44 = arith.addi %add3A_43, %mul3A_17 : i32
      %get3A_45 = arith.index_cast %add3A_44 : i32 to index
      %get3A_46 = tpu.vector_load %arg7[%get3A_45] {strides = array<i32>} : memref<25600xf32, #tpu.memory_space<vmem>>, vector<16xf32>,
      %get3A_47 = vector.shape_cast %get3A_46 : vector<16xf32> to vector<16xf32>
      %add3A_48 = arith.addf %add3A_42, %get3A_47 : vector<16xf32>
      %add3A_49 = arith.constant 2560 : i32
      %add3A_50 = arith.addi %add3A_49, %mul3A_17 : i32
      %get3A_51 = arith.index_cast %add3A_50 : i32 to index
      %get3A_52 = tpu.vector_load %arg7[%get3A_51] {strides = array<i32>} : memref<25600xf32, #tpu.memory_space<vmem>>, vector<16xf32>,
      %get3A_53 = vector.shape_cast %get3A_52 : vector<16xf32> to vector<16xf32>
      %add3A_54 = arith.addf %add3A_48, %get3A_53 : vector<16xf32>
      %add3A_55 = arith.constant 3072 : i32
      %add3A_56 = arith.addi %add3A_55, %mul3A_17 : i32
      %get3A_57 = arith.index_cast %add3A_56 : i32 to index
      %get3A_58 = tpu.vector_load %arg7[%get3A_57] {strides = array<i32>} : memref<25600xf32, #tpu.memory_space<vmem>>, vector<16xf32>,
      %get3A_59 = vector.shape_cast %get3A_58 : vector<16xf32> to vector<16xf32>
      %add3A_60 = arith.addf %add3A_54, %get3A_59 : vector<16xf32>
      %add3A_61 = arith.constant 3584 : i32
      %add3A_62 = arith.addi %add3A_61, %mul3A_17 : i32
      %get3A_63 = arith.index_cast %add3A_62 : i32 to index
      %get3A_64 = tpu.vector_load %arg7[%get3A_63] {strides = array<i32>} : memref<25600xf32, #tpu.memory_space<vmem>>, vector<16xf32>,
      %get3A_65 = vector.shape_cast %get3A_64 : vector<16xf32> to vector<16xf32>
      %add3A_66 = arith.addf %add3A_60, %get3A_65 : vector<16xf32>
      %add3A_67 = arith.constant 4096 : i32
      %add3A_68 = arith.addi %add3A_67, %mul3A_17 : i32
      %get3A_69 = arith.index_cast %add3A_68 : i32 to index
      %get3A_70 = tpu.vector_load %arg7[%get3A_69] {strides = array<i32>} : memref<25600xf32, #tpu.memory_space<vmem>>, vector<16xf32>,
      %get3A_71 = vector.shape_cast %get3A_70 : vector<16xf32> to vector<16xf32>
      %add3A_72 = arith.addf %add3A_66, %get3A_71 : vector<16xf32>
      %add3A_73 = arith.constant 4608 : i32
      %add3A_74 = arith.addi %add3A_73, %mul3A_17 : i32
      %get3A_75 = arith.index_cast %add3A_74 : i32 to index
      %get3A_76 = tpu.vector_load %arg7[%get3A_75] {strides = array<i32>} : memref<25600xf32, #tpu.memory_space<vmem>>, vector<16xf32>,
      %get3A_77 = vector.shape_cast %get3A_76 : vector<16xf32> to vector<16xf32>
      %add3A_78 = arith.addf %add3A_72, %get3A_77 : vector<16xf32>
      %add3A_79 = arith.constant 5120 : i32
      %add3A_80 = arith.addi %add3A_79, %mul3A_17 : i32
      %get3A_81 = arith.index_cast %add3A_80 : i32 to index
      %get3A_82 = tpu.vector_load %arg7[%get3A_81] {strides = array<i32>} : memref<25600xf32, #tpu.memory_space<vmem>>, vector<16xf32>,
      %get3A_83 = vector.shape_cast %get3A_82 : vector<16xf32> to vector<16xf32>
      %add3A_84 = arith.addf %add3A_78, %get3A_83 : vector<16xf32>
      %add3A_85 = arith.constant 5632 : i32
      %add3A_86 = arith.addi %add3A_85, %mul3A_17 : i32
      %get3A_87 = arith.index_cast %add3A_86 : i32 to index
      %get3A_88 = tpu.vector_load %arg7[%get3A_87] {strides = array<i32>} : memref<25600xf32, #tpu.memory_space<vmem>>, vector<16xf32>,
      %get3A_89 = vector.shape_cast %get3A_88 : vector<16xf32> to vector<16xf32>
      %add3A_90 = arith.addf %add3A_84, %get3A_89 : vector<16xf32>
      %add3A_91 = arith.constant 6144 : i32
      %add3A_92 = arith.addi %add3A_91, %mul3A_17 : i32
      %get3A_93 = arith.index_cast %add3A_92 : i32 to index
      %get3A_94 = tpu.vector_load %arg7[%get3A_93] {strides = array<i32>} : memref<25600xf32, #tpu.memory_space<vmem>>, vector<16xf32>,
      %get3A_95 = vector.shape_cast %get3A_94 : vector<16xf32> to vector<16xf32>
      %add3A_96 = arith.addf %add3A_90, %get3A_95 : vector<16xf32>
      %add3A_97 = arith.constant 6656 : i32
      %add3A_98 = arith.addi %add3A_97, %mul3A_17 : i32
      %get3A_99 = arith.index_cast %add3A_98 : i32 to index
      %get3A_100 = tpu.vector_load %arg7[%get3A_99] {strides = array<i32>} : memref<25600xf32, #tpu.memory_space<vmem>>, vector<16xf32>,
      %get3A_101 = vector.shape_cast %get3A_100 : vector<16xf32> to vector<16xf32>
      %add3A_102 = arith.addf %add3A_96, %get3A_101 : vector<16xf32>
      %add3A_103 = arith.constant 7168 : i32
      %add3A_104 = arith.addi %add3A_103, %mul3A_17 : i32
      %get3A_105 = arith.index_cast %add3A_104 : i32 to index
      %get3A_106 = tpu.vector_load %arg7[%get3A_105] {strides = array<i32>} : memref<25600xf32, #tpu.memory_space<vmem>>, vector<16xf32>,
      %get3A_107 = vector.shape_cast %get3A_106 : vector<16xf32> to vector<16xf32>
      %add3A_108 = arith.addf %add3A_102, %get3A_107 : vector<16xf32>
      %add3A_109 = arith.constant 7680 : i32
      %add3A_110 = arith.addi %add3A_109, %mul3A_17 : i32
      %get3A_111 = arith.index_cast %add3A_110 : i32 to index
      %get3A_112 = tpu.vector_load %arg7[%get3A_111] {strides = array<i32>} : memref<25600xf32, #tpu.memory_space<vmem>>, vector<16xf32>,
      %get3A_113 = vector.shape_cast %get3A_112 : vector<16xf32> to vector<16xf32>
      %add3A_114 = arith.addf %add3A_108, %get3A_113 : vector<16xf32>
      %add3A_115 = arith.constant 8192 : i32
      %add3A_116 = arith.addi %add3A_115, %mul3A_17 : i32
      %get3A_117 = arith.index_cast %add3A_116 : i32 to index
      %get3A_118 = tpu.vector_load %arg7[%get3A_117] {strides = array<i32>} : memref<25600xf32, #tpu.memory_space<vmem>>, vector<16xf32>,
      %get3A_119 = vector.shape_cast %get3A_118 : vector<16xf32> to vector<16xf32>
      %add3A_120 = arith.addf %add3A_114, %get3A_119 : vector<16xf32>
      %add3A_121 = arith.constant 8704 : i32
      %add3A_122 = arith.addi %add3A_121, %mul3A_17 : i32
      %get3A_123 = arith.index_cast %add3A_122 : i32 to index
      %get3A_124 = tpu.vector_load %arg7[%get3A_123] {strides = array<i32>} : memref<25600xf32, #tpu.memory_space<vmem>>, vector<16xf32>,
      %get3A_125 = vector.shape_cast %get3A_124 : vector<16xf32> to vector<16xf32>
      %add3A_126 = arith.addf %add3A_120, %get3A_125 : vector<16xf32>
      %add3A_127 = arith.constant 9216 : i32
      %add3A_128 = arith.addi %add3A_127, %mul3A_17 : i32
      %get3A_129 = arith.index_cast %add3A_128 : i32 to index
      %get3A_130 = tpu.vector_load %arg7[%get3A_129] {strides = array<i32>} : memref<25600xf32, #tpu.memory_space<vmem>>, vector<16xf32>,
      %get3A_131 = vector.shape_cast %get3A_130 : vector<16xf32> to vector<16xf32>
      %add3A_132 = arith.addf %add3A_126, %get3A_131 : vector<16xf32>
      %add3A_133 = arith.constant 9728 : i32
      %add3A_134 = arith.addi %add3A_133, %mul3A_17 : i32
      %get3A_135 = arith.index_cast %add3A_134 : i32 to index
      %get3A_136 = tpu.vector_load %arg7[%get3A_135] {strides = array<i32>} : memref<25600xf32, #tpu.memory_space<vmem>>, vector<16xf32>,
      %get3A_137 = vector.shape_cast %get3A_136 : vector<16xf32> to vector<16xf32>
      %add3A_138 = arith.addf %add3A_132, %get3A_137 : vector<16xf32>
      %add3A_139 = arith.constant 10240 : i32
      %add3A_140 = arith.addi %add3A_139, %mul3A_17 : i32
      %get3A_141 = arith.index_cast %add3A_140 : i32 to index
      %get3A_142 = tpu.vector_load %arg7[%get3A_141] {strides = array<i32>} : memref<25600xf32, #tpu.memory_space<vmem>>, vector<16xf32>,
      %get3A_143 = vector.shape_cast %get3A_142 : vector<16xf32> to vector<16xf32>
      %add3A_144 = arith.addf %add3A_138, %get3A_143 : vector<16xf32>
      %add3A_145 = arith.constant 10752 : i32
      %add3A_146 = arith.addi %add3A_145, %mul3A_17 : i32
      %get3A_147 = arith.index_cast %add3A_146 : i32 to index
      %get3A_148 = tpu.vector_load %arg7[%get3A_147] {strides = array<i32>} : memref<25600xf32, #tpu.memory_space<vmem>>, vector<16xf32>,
      %get3A_149 = vector.shape_cast %get3A_148 : vector<16xf32> to vector<16xf32>
      %add3A_150 = arith.addf %add3A_144, %get3A_149 : vector<16xf32>
      %add3A_151 = arith.constant 11264 : i32
      %add3A_152 = arith.addi %add3A_151, %mul3A_17 : i32
      %get3A_153 = arith.index_cast %add3A_152 : i32 to index
      %get3A_154 = tpu.vector_load %arg7[%get3A_153] {strides = array<i32>} : memref<25600xf32, #tpu.memory_space<vmem>>, vector<16xf32>,
      %get3A_155 = vector.shape_cast %get3A_154 : vector<16xf32> to vector<16xf32>
      %add3A_156 = arith.addf %add3A_150, %get3A_155 : vector<16xf32>
      %add3A_157 = arith.constant 11776 : i32
      %add3A_158 = arith.addi %add3A_157, %mul3A_17 : i32
      %get3A_159 = arith.index_cast %add3A_158 : i32 to index
      %get3A_160 = tpu.vector_load %arg7[%get3A_159] {strides = array<i32>} : memref<25600xf32, #tpu.memory_space<vmem>>, vector<16xf32>,
      %get3A_161 = vector.shape_cast %get3A_160 : vector<16xf32> to vector<16xf32>
      %add3A_162 = arith.addf %add3A_156, %get3A_161 : vector<16xf32>
      %add3A_163 = arith.constant 12288 : i32
      %add3A_164 = arith.addi %add3A_163, %mul3A_17 : i32
      %get3A_165 = arith.index_cast %add3A_164 : i32 to index
      %get3A_166 = tpu.vector_load %arg7[%get3A_165] {strides = array<i32>} : memref<25600xf32, #tpu.memory_space<vmem>>, vector<16xf32>,
      %get3A_167 = vector.shape_cast %get3A_166 : vector<16xf32> to vector<16xf32>
      %add3A_168 = arith.addf %add3A_162, %get3A_167 : vector<16xf32>
      %add3A_169 = arith.constant 12800 : i32
      %add3A_170 = arith.addi %add3A_169, %mul3A_17 : i32
      %get3A_171 = arith.index_cast %add3A_170 : i32 to index
      %get3A_172 = tpu.vector_load %arg7[%get3A_171] {strides = array<i32>} : memref<25600xf32, #tpu.memory_space<vmem>>, vector<16xf32>,
      %get3A_173 = vector.shape_cast %get3A_172 : vector<16xf32> to vector<16xf32>
      %add3A_174 = arith.addf %add3A_168, %get3A_173 : vector<16xf32>
      %add3A_175 = arith.constant 13312 : i32
      %add3A_176 = arith.addi %add3A_175, %mul3A_17 : i32
      %get3A_177 = arith.index_cast %add3A_176 : i32 to index
      %get3A_178 = tpu.vector_load %arg7[%get3A_177] {strides = array<i32>} : memref<25600xf32, #tpu.memory_space<vmem>>, vector<16xf32>,
      %get3A_179 = vector.shape_cast %get3A_178 : vector<16xf32> to vector<16xf32>
      %add3A_180 = arith.addf %add3A_174, %get3A_179 : vector<16xf32>
      %add3A_181 = arith.constant 13824 : i32
      %add3A_182 = arith.addi %add3A_181, %mul3A_17 : i32
      %get3A_183 = arith.index_cast %add3A_182 : i32 to index
      %get3A_184 = tpu.vector_load %arg7[%get3A_183] {strides = array<i32>} : memref<25600xf32, #tpu.memory_space<vmem>>, vector<16xf32>,
      %get3A_185 = vector.shape_cast %get3A_184 : vector<16xf32> to vector<16xf32>
      %add3A_186 = arith.addf %add3A_180, %get3A_185 : vector<16xf32>
      %add3A_187 = arith.constant 14336 : i32
      %add3A_188 = arith.addi %add3A_187, %mul3A_17 : i32
      %get3A_189 = arith.index_cast %add3A_188 : i32 to index
      %get3A_190 = tpu.vector_load %arg7[%get3A_189] {strides = array<i32>} : memref<25600xf32, #tpu.memory_space<vmem>>, vector<16xf32>,
      %get3A_191 = vector.shape_cast %get3A_190 : vector<16xf32> to vector<16xf32>
      %add3A_192 = arith.addf %add3A_186, %get3A_191 : vector<16xf32>
      %add3A_193 = arith.constant 14848 : i32
      %add3A_194 = arith.addi %add3A_193, %mul3A_17 : i32
      %get3A_195 = arith.index_cast %add3A_194 : i32 to index
      %get3A_196 = tpu.vector_load %arg7[%get3A_195] {strides = array<i32>} : memref<25600xf32, #tpu.memory_space<vmem>>, vector<16xf32>,
      %get3A_197 = vector.shape_cast %get3A_196 : vector<16xf32> to vector<16xf32>
      %add3A_198 = arith.addf %add3A_192, %get3A_197 : vector<16xf32>
      %add3A_199 = arith.constant 15360 : i32
      %add3A_200 = arith.addi %add3A_199, %mul3A_17 : i32
      %get3A_201 = arith.index_cast %add3A_200 : i32 to index
      %get3A_202 = tpu.vector_load %arg7[%get3A_201] {strides = array<i32>} : memref<25600xf32, #tpu.memory_space<vmem>>, vector<16xf32>,
      %get3A_203 = vector.shape_cast %get3A_202 : vector<16xf32> to vector<16xf32>
      %add3A_204 = arith.addf %add3A_198, %get3A_203 : vector<16xf32>
      %add3A_205 = arith.constant 15872 : i32
      %add3A_206 = arith.addi %add3A_205, %mul3A_17 : i32
      %get3A_207 = arith.index_cast %add3A_206 : i32 to index
      %get3A_208 = tpu.vector_load %arg7[%get3A_207] {strides = array<i32>} : memref<25600xf32, #tpu.memory_space<vmem>>, vector<16xf32>,
      %get3A_209 = vector.shape_cast %get3A_208 : vector<16xf32> to vector<16xf32>
      %add3A_210 = arith.addf %add3A_204, %get3A_209 : vector<16xf32>
      %add3A_211 = arith.constant 16384 : i32
      %add3A_212 = arith.addi %add3A_211, %mul3A_17 : i32
      %get3A_213 = arith.index_cast %add3A_212 : i32 to index
      %get3A_214 = tpu.vector_load %arg7[%get3A_213] {strides = array<i32>} : memref<25600xf32, #tpu.memory_space<vmem>>, vector<16xf32>,
      %get3A_215 = vector.shape_cast %get3A_214 : vector<16xf32> to vector<16xf32>
      %add3A_216 = arith.addf %add3A_210, %get3A_215 : vector<16xf32>
      %add3A_217 = arith.constant 16896 : i32
      %add3A_218 = arith.addi %add3A_217, %mul3A_17 : i32
      %get3A_219 = arith.index_cast %add3A_218 : i32 to index
      %get3A_220 = tpu.vector_load %arg7[%get3A_219] {strides = array<i32>} : memref<25600xf32, #tpu.memory_space<vmem>>, vector<16xf32>,
      %get3A_221 = vector.shape_cast %get3A_220 : vector<16xf32> to vector<16xf32>
      %add3A_222 = arith.addf %add3A_216, %get3A_221 : vector<16xf32>
      %add3A_223 = arith.constant 17408 : i32
      %add3A_224 = arith.addi %add3A_223, %mul3A_17 : i32
      %get3A_225 = arith.index_cast %add3A_224 : i32 to index
      %get3A_226 = tpu.vector_load %arg7[%get3A_225] {strides = array<i32>} : memref<25600xf32, #tpu.memory_space<vmem>>, vector<16xf32>,
      %get3A_227 = vector.shape_cast %get3A_226 : vector<16xf32> to vector<16xf32>
      %add3A_228 = arith.addf %add3A_222, %get3A_227 : vector<16xf32>
      %add3A_229 = arith.constant 17920 : i32
      %add3A_230 = arith.addi %add3A_229, %mul3A_17 : i32
      %get3A_231 = arith.index_cast %add3A_230 : i32 to index
      %get3A_232 = tpu.vector_load %arg7[%get3A_231] {strides = array<i32>} : memref<25600xf32, #tpu.memory_space<vmem>>, vector<16xf32>,
      %get3A_233 = vector.shape_cast %get3A_232 : vector<16xf32> to vector<16xf32>
      %add3A_234 = arith.addf %add3A_228, %get3A_233 : vector<16xf32>
      %add3A_235 = arith.constant 18432 : i32
      %add3A_236 = arith.addi %add3A_235, %mul3A_17 : i32
      %get3A_237 = arith.index_cast %add3A_236 : i32 to index
      %get3A_238 = tpu.vector_load %arg7[%get3A_237] {strides = array<i32>} : memref<25600xf32, #tpu.memory_space<vmem>>, vector<16xf32>,
      %get3A_239 = vector.shape_cast %get3A_238 : vector<16xf32> to vector<16xf32>
      %add3A_240 = arith.addf %add3A_234, %get3A_239 : vector<16xf32>
      %add3A_241 = arith.constant 18944 : i32
      %add3A_242 = arith.addi %add3A_241, %mul3A_17 : i32
      %get3A_243 = arith.index_cast %add3A_242 : i32 to index
      %get3A_244 = tpu.vector_load %arg7[%get3A_243] {strides = array<i32>} : memref<25600xf32, #tpu.memory_space<vmem>>, vector<16xf32>,
      %get3A_245 = vector.shape_cast %get3A_244 : vector<16xf32> to vector<16xf32>
      %add3A_246 = arith.addf %add3A_240, %get3A_245 : vector<16xf32>
      %add3A_247 = arith.constant 19456 : i32
      %add3A_248 = arith.addi %add3A_247, %mul3A_17 : i32
      %get3A_249 = arith.index_cast %add3A_248 : i32 to index
      %get3A_250 = tpu.vector_load %arg7[%get3A_249] {strides = array<i32>} : memref<25600xf32, #tpu.memory_space<vmem>>, vector<16xf32>,
      %get3A_251 = vector.shape_cast %get3A_250 : vector<16xf32> to vector<16xf32>
      %add3A_252 = arith.addf %add3A_246, %get3A_251 : vector<16xf32>
      %add3A_253 = arith.constant 19968 : i32
      %add3A_254 = arith.addi %add3A_253, %mul3A_17 : i32
      %get3A_255 = arith.index_cast %add3A_254 : i32 to index
      %get3A_256 = tpu.vector_load %arg7[%get3A_255] {strides = array<i32>} : memref<25600xf32, #tpu.memory_space<vmem>>, vector<16xf32>,
      %get3A_257 = vector.shape_cast %get3A_256 : vector<16xf32> to vector<16xf32>
      %add3A_258 = arith.addf %add3A_252, %get3A_257 : vector<16xf32>
      %add3A_259 = arith.constant 20480 : i32
      %add3A_260 = arith.addi %add3A_259, %mul3A_17 : i32
      %get3A_261 = arith.index_cast %add3A_260 : i32 to index
      %get3A_262 = tpu.vector_load %arg7[%get3A_261] {strides = array<i32>} : memref<25600xf32, #tpu.memory_space<vmem>>, vector<16xf32>,
      %get3A_263 = vector.shape_cast %get3A_262 : vector<16xf32> to vector<16xf32>
      %add3A_264 = arith.addf %add3A_258, %get3A_263 : vector<16xf32>
      %add3A_265 = arith.constant 20992 : i32
      %add3A_266 = arith.addi %add3A_265, %mul3A_17 : i32
      %get3A_267 = arith.index_cast %add3A_266 : i32 to index
      %get3A_268 = tpu.vector_load %arg7[%get3A_267] {strides = array<i32>} : memref<25600xf32, #tpu.memory_space<vmem>>, vector<16xf32>,
      %get3A_269 = vector.shape_cast %get3A_268 : vector<16xf32> to vector<16xf32>
      %add3A_270 = arith.addf %add3A_264, %get3A_269 : vector<16xf32>
      %add3A_271 = arith.constant 21504 : i32
      %add3A_272 = arith.addi %add3A_271, %mul3A_17 : i32
      %get3A_273 = arith.index_cast %add3A_272 : i32 to index
      %get3A_274 = tpu.vector_load %arg7[%get3A_273] {strides = array<i32>} : memref<25600xf32, #tpu.memory_space<vmem>>, vector<16xf32>,
      %get3A_275 = vector.shape_cast %get3A_274 : vector<16xf32> to vector<16xf32>
      %add3A_276 = arith.addf %add3A_270, %get3A_275 : vector<16xf32>
      %add3A_277 = arith.constant 22016 : i32
      %add3A_278 = arith.addi %add3A_277, %mul3A_17 : i32
      %get3A_279 = arith.index_cast %add3A_278 : i32 to index
      %get3A_280 = tpu.vector_load %arg7[%get3A_279] {strides = array<i32>} : memref<25600xf32, #tpu.memory_space<vmem>>, vector<16xf32>,
      %get3A_281 = vector.shape_cast %get3A_280 : vector<16xf32> to vector<16xf32>
      %add3A_282 = arith.addf %add3A_276, %get3A_281 : vector<16xf32>
      %add3A_283 = arith.constant 22528 : i32
      %add3A_284 = arith.addi %add3A_283, %mul3A_17 : i32
      %get3A_285 = arith.index_cast %add3A_284 : i32 to index
      %get3A_286 = tpu.vector_load %arg7[%get3A_285] {strides = array<i32>} : memref<25600xf32, #tpu.memory_space<vmem>>, vector<16xf32>,
      %get3A_287 = vector.shape_cast %get3A_286 : vector<16xf32> to vector<16xf32>
      %add3A_288 = arith.addf %add3A_282, %get3A_287 : vector<16xf32>
      %add3A_289 = arith.constant 23040 : i32
      %add3A_290 = arith.addi %add3A_289, %mul3A_17 : i32
      %get3A_291 = arith.index_cast %add3A_290 : i32 to index
      %get3A_292 = tpu.vector_load %arg7[%get3A_291] {strides = array<i32>} : memref<25600xf32, #tpu.memory_space<vmem>>, vector<16xf32>,
      %get3A_293 = vector.shape_cast %get3A_292 : vector<16xf32> to vector<16xf32>
      %add3A_294 = arith.addf %add3A_288, %get3A_293 : vector<16xf32>
      %add3A_295 = arith.constant 23552 : i32
      %add3A_296 = arith.addi %add3A_295, %mul3A_17 : i32
      %get3A_297 = arith.index_cast %add3A_296 : i32 to index
      %get3A_298 = tpu.vector_load %arg7[%get3A_297] {strides = array<i32>} : memref<25600xf32, #tpu.memory_space<vmem>>, vector<16xf32>,
      %get3A_299 = vector.shape_cast %get3A_298 : vector<16xf32> to vector<16xf32>
      %add3A_300 = arith.addf %add3A_294, %get3A_299 : vector<16xf32>
      %add3A_301 = arith.constant 24064 : i32
      %add3A_302 = arith.addi %add3A_301, %mul3A_17 : i32
      %get3A_303 = arith.index_cast %add3A_302 : i32 to index
      %get3A_304 = tpu.vector_load %arg7[%get3A_303] {strides = array<i32>} : memref<25600xf32, #tpu.memory_space<vmem>>, vector<16xf32>,
      %get3A_305 = vector.shape_cast %get3A_304 : vector<16xf32> to vector<16xf32>
      %add3A_306 = arith.addf %add3A_300, %get3A_305 : vector<16xf32>
      %add3A_307 = arith.constant 24576 : i32
      %add3A_308 = arith.addi %add3A_307, %mul3A_17 : i32
      %get3A_309 = arith.index_cast %add3A_308 : i32 to index
      %get3A_310 = tpu.vector_load %arg7[%get3A_309] {strides = array<i32>} : memref<25600xf32, #tpu.memory_space<vmem>>, vector<16xf32>,
      %get3A_311 = vector.shape_cast %get3A_310 : vector<16xf32> to vector<16xf32>
      %add3A_312 = arith.addf %add3A_306, %get3A_311 : vector<16xf32>
      %add3A_313 = arith.constant 25088 : i32
      %add3A_314 = arith.addi %add3A_313, %mul3A_17 : i32
      %get3A_315 = arith.index_cast %add3A_314 : i32 to index
      %get3A_316 = tpu.vector_load %arg7[%get3A_315] {strides = array<i32>} : memref<25600xf32, #tpu.memory_space<vmem>>, vector<16xf32>,
      %get3A_317 = vector.shape_cast %get3A_316 : vector<16xf32> to vector<16xf32>
      %add3A_318 = arith.addf %add3A_312, %get3A_317 : vector<16xf32>
      %mul3A_319 = vector.broadcast %scan3A_7 : f32 to vector<16xf32>
      %mul3A_320 = arith.mulf %add3A_318, %mul3A_319 : vector<16xf32>
      %add3A_321 = arith.addf %mul3A_320, %get3A_6 : vector<16xf32>
      %neg3A = arith.constant 0.000000e+00 : f32
      %neg3A_322 = vector.broadcast %neg3A : f32 to vector<16xf32>
      %neg3A_323 = arith.subf %neg3A_322, %add3A_321 : vector<16xf32>
      %exp3A = math.exp %neg3A_323 : vector<16xf32>
      %add3A_324 = arith.constant 1.000000e+00 : f32
      %add3A_325 = vector.broadcast %add3A_324 : f32 to vector<16xf32>
      %add3A_326 = arith.addf %add3A_325, %exp3A : vector<16xf32>
      %div3A = arith.constant 1.000000e+00 : f32
      %div3A_327 = vector.broadcast %div3A : f32 to vector<16xf32>
      %div3A_328 = arith.divf %div3A_327, %add3A_326 : vector<16xf32>
      %swap3A = arith.index_cast %mul3A_17 : i32 to index
      %swap3A_329 = tpu.vector_load %arg8[%swap3A] {strides = array<i32>} : memref<512xf32, #tpu.memory_space<vmem>>, vector<16xf32>,
      %swap3A_330 = vector.shape_cast %swap3A_329 : vector<16xf32> to vector<16xf32>
      %swap3A_331 = vector.shape_cast %div3A_328 : vector<16xf32> to vector<16xf32>
      tpu.vector_store %arg8[%swap3A], %swap3A_331 {strides = array<i32>} : memref<512xf32, #tpu.memory_space<vmem>>, vector<16xf32>,
    }
    %scan3A_12 = arith.constant 32 : i32
    %mul3A_13 = arith.constant 512 : i32
    %mul3A_14 = arith.muli %add3A, %mul3A_13 : i32
    "tpu.region"() ({
      %run_scoped3A = tpu.sem_alloc : memref<!tpu.dma_semaphore, #tpu.memory_space<semaphore_mem>>
      %dma_start3A_15 = tpu.memref_slice %arg5[%mul3A_14] : memref<16384xf32, #tpu.memory_space<hbm>> -> memref<512xf32, #tpu.memory_space<hbm>>
      %dma_start3A_16 = tpu.memref_slice %arg5[%mul3A_14] : memref<16384xf32, #tpu.memory_space<hbm>> -> memref<512xf32, #tpu.memory_space<hbm>>
      tpu.enqueue_dma source(%arg8 : memref<512xf32, #tpu.memory_space<vmem>>) target(%dma_start3A_16 : memref<512xf32, #tpu.memory_space<hbm>>) target_semaphore(%run_scoped3A : memref<!tpu.dma_semaphore, #tpu.memory_space<semaphore_mem>>)
      %dma_wait3A_17 = tpu.memref_slice %arg5[%mul3A_14] : memref<16384xf32, #tpu.memory_space<hbm>> -> memref<512xf32, #tpu.memory_space<hbm>>
      %dma_wait3A_18 = tpu.memref_slice %arg5[%mul3A_14] : memref<16384xf32, #tpu.memory_space<hbm>> -> memref<512xf32, #tpu.memory_space<hbm>>
      tpu.wait_dma2 semaphore(%run_scoped3A : memref<!tpu.dma_semaphore, #tpu.memory_space<semaphore_mem>>) src(%arg8 : memref<512xf32, #tpu.memory_space<vmem>>) dst(%dma_wait3A_18 : memref<512xf32, #tpu.memory_space<hbm>>)
      tpu.yield
    }) : () -> ()
    return
  }
}

module attributes {stable_mosaic.version = 14 : i64} {
  func.func @body(%arg0: i32, %arg1: memref<4096x8x64xf32, #tpu.memory_space<vmem>>, %arg2: memref<1x64xf32, #tpu.memory_space<vmem>>, %arg3: memref<1x1x32768xf32, #tpu.memory_space<vmem>>) attributes {dimension_semantics = [#tpu.dimension_semantics<arbitrary>], iteration_bounds = array<i64: 31>, scalar_prefetch = 0 : i64, scratch_operands = 0 : i64, tpu.core_type = #tpu.core_type<tc>, window_params = [{transform_indices = @transform_0, window_bounds = array<i64: 4096, 8, 64>}, {pipeline_mode = #tpu.pipeline_mode<synchronous>, transform_indices = @transform_1, window_bounds = array<i64: 1, 64>}, {transform_indices = @transform_2, window_bounds = array<i64: 1, 1, 32768>}]} {
    %get3A = arith.constant 0 : index
    %get3A_0 = arith.constant 0 : index
    %get3A_1 = arith.constant 0 : index
    %get3A_2 = vector.load %arg1[%get3A, %get3A_0, %get3A_1] : memref<4096x8x64xf32, #tpu.memory_space<vmem>>, vector<4096x8x64xf32>
    %reshape3A = vector.shape_cast %get3A_2 : vector<4096x8x64xf32> to vector<32768x64xf32>
    %get3A_3 = arith.constant 0 : index
    %get3A_4 = arith.constant 0 : index
    %get3A_5 = vector.load %arg2[%get3A_3, %get3A_4] : memref<1x64xf32, #tpu.memory_space<vmem>>, vector<1x64xf32>
    %dot_general3A = arith.constant dense<0.000000e+00> : vector<1x32768xf32>
    %dot_general3A_6 = tpu.matmul %get3A_5, %reshape3A, %dot_general3A {dimension_numbers = #tpu.dot_dimension_numbers<[1], [1], [0], [0], [0, 0, 1, 0], [], []>, transpose_lhs_hint = false} : vector<1x64xf32>, vector<32768x64xf32>, vector<1x32768xf32> -> vector<1x32768xf32>
    %broadcast_in_dim3A = vector.shape_cast %dot_general3A_6 : vector<1x32768xf32> to vector<1x1x32768xf32>
    %swap3A = arith.constant 0 : index
    %swap3A_7 = arith.constant 0 : index
    %swap3A_8 = arith.constant 0 : index
    %swap3A_9 = vector.load %arg3[%swap3A, %swap3A_7, %swap3A_8] : memref<1x1x32768xf32, #tpu.memory_space<vmem>>, vector<1x1x32768xf32>
    tpu.vector_store %arg3[%swap3A, %swap3A_7, %swap3A_8], %broadcast_in_dim3A {strides = array<i32>} : memref<1x1x32768xf32, #tpu.memory_space<vmem>>, vector<1x1x32768xf32>,
    return
  }
  func.func @transform_0(%arg0: i32) -> (i32, i32, i32) {
    %c0_i32 = arith.constant 0 : i32
    %c0_i32_0 = arith.constant 0 : i32
    %c0_i32_1 = arith.constant 0 : i32
    return %arg0, %c0_i32, %c0_i32_0 : i32, i32, i32
  }
  func.func @transform_1(%arg0: i32) -> (i32, i32) {
    %c0_i32 = arith.constant 0 : i32
    %c0_i32_0 = arith.constant 0 : i32
    %c0_i32_1 = arith.constant 0 : i32
    return %c0_i32, %c0_i32_0 : i32, i32
  }
  func.func @transform_2(%arg0: i32) -> (i32, i32, i32) {
    %c0_i32 = arith.constant 0 : i32
    %c0_i32_0 = arith.constant 0 : i32
    %c0_i32_1 = arith.constant 0 : i32
    return %arg0, %c0_i32, %c0_i32_0 : i32, i32, i32
  }
}

</mosaic_0001>

<sc_bundles>
// kernel: kernel.4.cloned.1.call-start
scs
__scs_entry_jumppad:
0x0: {  	(pc) =	sbr.rel $0x88, $3  }
0x1: {  	(tag) =	ssettag $0x0;
	lr =	simm.s32 $0x1  }
0x2: {  	[smem:$0x3F9D] =	sst lr;
	_ =	strace $0xD0000000  }
0x3: {  	_ = 	snop  }
0x4: {  	_ = 	snop  }
0x5: {  	_ = 	snop  }
0x6: {  	_ = 	snop  }
0x7: {  	_ = 	snop  }
__scs_overlays_trampoline_lowered:
0x8: {  	[smem:$0x3FAC] =	sst s0  }
0x9: {  	[smem:$0x3FAD] =	sst s1  }
0xa: {  	[smem:$0x3FAE] =	sst s2  }
0xb: {  	[smem:$0x3FAF] =	sst s3  }
0xc: {  	[smem:$0x3FB0] =	sst s4  }
0xd: {  	[smem:$0x3FB1] =	sst s5  }
0xe: {  	[smem:$0x3FB2] =	sst s6  }
0xf: {  	[smem:$0x3FB3] =	sst s7  }
0x10: {  	[smem:$0x3FB4] =	sst s8  }
0x11: {  	[smem:$0x3FB5] =	sst s9;
	s0 =	simm.s32 @!p0 $0x0  }
0x12: {  	s1 =	sld [smem:$0x3F9B];
	s0 =	simm.s32 @p0 $0x1  }
0x13: {  	[smem:$0x3FB6] =	sst s0;
	s0 =	simm.s32 @!p1 $0x0  }
0x14: {  	s2 =	sld [smem:$0x3F9A];
	s0 =	simm.s32 @p1 $0x1  }
0x15: {  	[smem:$0x3FB7] =	sst s0;
	s0 =	simm.s32 @!p2 $0x0  }
0x16: {  	s3 =	sld [smem:$0x3FDB];
	s0 =	simm.s32 @p2 $0x1  }
0x17: {  	s4 =	simm.s32 $0x1BF5;
	[smem:$0x3FB9] =	sst s0  }
0x18: {  	s0 =	sld [smem:$0x3F9C];
	_ =	swait.ge [sflag:s4], $0x0  }
0x19: {  	s7 =	sld [smem:$0x3F9D]  }
0x1a: {  	s8 =	sadd.s32 $0xFFFFE003, lr  }
0x1b: {  	s9 =	sadd.s32 $0xFFFFFEF7, lr;
	s5 =	simm.s32 $0xFFFFFFFF;
	p2 =	slt.u32 s8, $0xFFFFF086  }
0x1c: {  	p1 =	slt.u32 s9, $0xF7A;
	s5 =	simm.s32 @!p2 $0x0  }
0x1d: {  	s5 =	simm.s32 @p1 $0x1;
	p0 =	seq.s32 s7, s2  }
0x1e: {  	s7 =	smul.u32 @!p0 $0xF7A, s2;
	p2 =	seq.s32 @!p0 s5, $0x0  }
0x1f: {  	s9 =	smul.u32 $0xF7A, s1;
	s8 =	simm.s32 @!p0 $0x1BF5;
	p2 =	por !p2, p0  }
0x20: {  	[sflag:s8] =	ssyncset.s32 @!p0 $0xFFFFF086;
	s6 =	sadd.s32 @!p0 s3, s7;
	s7 =	simm.s32 @!p0 $0x108  }
0x21: {  	s3 =	sadd.s32 s3, s9;
	s6 =	sadd.s32 @!p0 $0x88, s6;
	s7 =	simm.s32 @p2 $0x1082  }
0x22: {  	[simem:s7], [sflag:s8] =	dma.local @!p0 [hbm:s6], $0xF7A  }
0x23: {  	s9 =	sor.u32 $0xD0000000, s2;
	s6 =	simm.s32 $0x108;
	_ =	swait.ge @!p0 [sflag:s8], $0x0  }
0x24: {  	s3 =	sadd.s32 $0x88, s3;
	s6 =	simm.s32 @!p1 $0x1082;
	[sflag:s4] =	ssyncset.s32 $0xFFFFF086  }
0x25: {  	[simem:s6], [sflag:s4] =	dma.local [hbm:s3], $0xF7A  }
0x26: {  	[smem:$0x3F9D] =	sst s1;
	(tag) =	ssettag s2;
	_ =	strace s9  }
0x27: {  	s1 =	sld [smem:$0x3FAD]  }
0x28: {  	s2 =	sld [smem:$0x3FAE]  }
0x29: {  	s4 =	sld [smem:$0x3FB0]  }
0x2a: {  	p0 =	seq.s32 s5, $0x0;
	s5 =	sld [smem:$0x3FB1]  }
0x2b: {  	s6 =	sld [smem:$0x3FB2]  }
0x2c: {  	s7 =	sld [smem:$0x3FB3]  }
0x2d: {  	s3 =	simm.s32 $0x108;
	s8 =	sld [smem:$0x3FB4]  }
0x2e: {  	s3 =	simm.s32 @!p0 $0x1082;
	s9 =	sld [smem:$0x3FB5]  }
0x2f: {  	lr =	sadd.s32 s0, s3;
	s0 =	sld [smem:$0x3FAC]  }
0x30: {  	s3 =	sld [smem:$0x3FAF]  }
0x31: {  	[smem:$0x3FB8] =	sst s10  }
0x32: {  	s10 =	sld [smem:$0x3FB6];
	_ =	sdelay $0x3  }
0x33: {  	p0 =	seq.s32 s10, $0x1;
	s10 =	sld [smem:$0x3FB8];
	_ =	sdelay $0x3  }
0x34: {  	[smem:$0x3FB8] =	sst s10  }
0x35: {  	s10 =	sld [smem:$0x3FB7];
	_ =	sdelay $0x3  }
0x36: {  	p1 =	seq.s32 s10, $0x1;
	s10 =	sld [smem:$0x3FB8];
	_ =	sdelay $0x3  }
0x37: {  	[smem:$0x3FB8] =	sst s10  }
0x38: {  	s10 =	sld [smem:$0x3FB9]  }
0x39: {  	_ = 	snop;
	(pc) =	sbr.ind lr, $3  }
0x3a: {  	_ = 	snop  }
0x3b: {  	_ = 	snop  }
0x3c: {  	p2 =	seq.s32 s10, $0x1;
	s10 =	sld [smem:$0x3FB8]  }
0x3d: {  	_ =	shalt  }
0x3e: {  	_ =	shalt  }
0x3f: {  	_ =	shalt  }
0x40: {  	_ =	shalt  }
0x41: {  	_ =	shalt  }
0x42: {  	_ =	shalt  }
0x43: {  	_ =	shalt  }
0x44: {  	_ =	shalt  }
0x45: {  	_ =	shalt  }
0x46: {  	_ =	shalt  }
0x47: {  	_ =	shalt  }
0x48: {  	_ =	shalt  }
0x49: {  	_ =	shalt  }
0x4a: {  	_ =	shalt  }
0x4b: {  	_ =	shalt  }
0x4c: {  	_ =	shalt  }
0x4d: {  	_ =	shalt  }
0x4e: {  	_ =	shalt  }
0x4f: {  	_ =	shalt  }
0x50: {  	_ =	shalt  }
0x51: {  	_ =	shalt  }
0x52: {  	_ =	shalt  }
0x53: {  	_ =	shalt  }
0x54: {  	_ =	shalt  }
0x55: {  	_ =	shalt  }
0x56: {  	_ =	shalt  }
0x57: {  	_ =	shalt  }
0x58: {  	_ =	shalt  }
0x59: {  	_ =	shalt  }
0x5a: {  	_ =	shalt  }
0x5b: {  	_ =	shalt  }
0x5c: {  	_ =	shalt  }
0x5d: {  	_ =	shalt  }
0x5e: {  	_ =	shalt  }
0x5f: {  	_ =	shalt  }
0x60: {  	_ =	shalt  }
0x61: {  	_ =	shalt  }
0x62: {  	_ =	shalt  }
0x63: {  	_ =	shalt  }
0x64: {  	_ =	shalt  }
0x65: {  	_ =	shalt  }
0x66: {  	_ =	shalt  }
0x67: {  	_ =	shalt  }
0x68: {  	_ =	shalt  }
0x69: {  	_ =	shalt  }
0x6a: {  	_ =	shalt  }
0x6b: {  	_ =	shalt  }
0x6c: {  	_ =	shalt  }
0x6d: {  	_ =	shalt  }
0x6e: {  	_ =	shalt  }
0x6f: {  	_ =	shalt  }
0x70: {  	_ =	shalt  }
0x71: {  	_ =	shalt  }
0x72: {  	_ =	shalt  }
0x73: {  	_ =	shalt  }
0x74: {  	_ =	shalt  }
0x75: {  	_ =	shalt  }
0x76: {  	_ =	shalt  }
0x77: {  	_ =	shalt  }
0x78: {  	_ =	shalt  }
0x79: {  	_ =	shalt  }
0x7a: {  	_ =	shalt  }
0x7b: {  	_ =	shalt  }
0x7c: {  	_ =	shalt  }
0x7d: {  	_ =	shalt  }
0x7e: {  	_ =	shalt  }
0x7f: {  	_ =	shalt  }
0x80: {  	_ =	shalt  }
0x81: {  	_ =	shalt  }
0x82: {  	_ =	shalt  }
0x83: {  	_ =	shalt  }
0x84: {  	_ =	shalt  }
0x85: {  	_ =	shalt  }
0x86: {  	_ =	shalt  }
0x87: {  	_ =	shalt  }
.Lfunc_end0:
.L_simem_size_0:
called_computation_lowered:
.L_overlay_start_0:
0x88: {  	s2 =	sld [smem:$0x3FD9]  }
0x89: {  	s3 =	sld [smem:$0x3FFE];
	_ =	sdelay $0x1  }
0x8a: {  	s1 =	srdreg.scid  }
0x8b: {  	s0 =	sand.u32 $0x1, s1  }
0x8c: {  	s17 =	sshll.u32 s0, $0xA;
	s2 =	sadd.s32 s3, s2  }
0x8d: {  	s2 =	sadd.s32 s2, s17  }
0x8e: {  	[smem:$0x3FC4] =	sst s2  }
0x8f: {  	_ = 	snop  }
0x90: {  	s2 =	sld [smem:$0x3FD0];
	(tm) =	ssettm $0x1  }
0x91: {  	s18 =	sld [smem:$0x3FFB];
	_ =	sdelay $0x3  }
0x92: {  	_ =	strace s18  }
0x93: {  	s3 =	sld [smem:$0x3FFC];
	_ =	sdelay $0x3  }
0x94: {  	_ =	strace s3  }
0x95: {  	s3 =	sld [smem:$0x3FFD];
	_ =	sdelay $0x3  }
0x96: {  	_ =	strace s3  }
0x97: {  	_ =	strace $0x8FFFFFFF  }
0x98: {  	s19 =	sld [smem:$0x3FDB];
	_ =	sdelay $0x1  }
0x99: {  	s4 =	simm.s32 $_scs_section_size  }
0x9a: {  	s5 =	simm.s32 $_size__tile_overlayer_lowered;
	s6 =	simm.s32 $_tile_overlayer_lowered  }
0x9b: {  	s22 =	simm.s32 $0x1BFF;
	s21 =	sshll.u32 s6, $0x1;
	s3 =	sadd.s32 s4, s19  }
0x9c: {  	s7 =	simm.s32 $0x0;
	s20 =	sshll.u32 s5, $0x1;
	s5 =	sadd.s32 s21, s3  }
0x9d: {  	[timem:s7], [sflag:s22] =	dma.local [hbm:s5], s20  }
0x9e: {  	_ =	swait.ge [sflag:s22], s20  }
0x9f: {  	s4 =	ssub.s32 $0x0, s20;
	[sflag:s22] =	ssyncset.done $0x0  }
0xa0: {  	[sflag:s22] =	ssyncadd.s32 s4;
	_ =	sdelay $0x1  }
0xa1: {  	s23 =	simm.s32 $0x1B8B  }
0xa2: {  	_ =	swait.ge [sflag:s23], $0x1  }
0xa3: {  	[sflag:s23] =	ssyncset.done $0x0  }
0xa4: {  	s25 =	simm.s32 $0x1B8E;
	s24 =	sld [smem:$0x3FFE];
	[sflag:s23] =	ssyncadd.s32 $0xFFFFFFFF  }
0xa5: {  	s26 =	simm.s32 $execute0_lowered;
	[smem:$0x3FD2] =	sst s25  }
0xa6: {  	s5 =	sshll.u32 s26, $0x1;
	_ =	strace $0x80000046;
	[dreg:$0x1] =	wrdreg $0xFFFFFFFF  }
0xa7: {  	s28 =	simm.s32 $_size_execute0_lowered;
	s3 =	sadd.s32 s3, s5;
	[dreg:$0x0] =	wrdreg $0x0  }
0xa8: {  	s5 =	sshll.u32 s28, $0x1;
	[dreg:$0x2] =	wrdreg s3  }
0xa9: {  	[dreg:$0x3] =	wrdreg s5  }
0xaa: {  	[dreg:$0x4] =	wrdreg $0xC0  }
0xab: {  	_ =	task [dreg:s7], $0x5FFFF  }
0xac: {  	[dreg:$0x1] =	wrdreg $0xFFFFFFFF  }
0xad: {  	[dreg:$0x0] =	wrdreg $0x60  }
0xae: {  	[dreg:$0x2] =	wrdreg s24  }
0xaf: {  	[dreg:$0x3] =	wrdreg s2  }
0xb0: {  	[dreg:$0x4] =	wrdreg $0x9  }
0xb1: {  	_ =	task.clear_ibuf [dreg:s7], $0x5FFFF;
	_ =	strace $0x90000046  }
0xb2: {  	s29 =	simm.s32 $0x9;
	_ =	strace $0x80000048  }
0xb3: {  	_ =	swait.ge [sflag:s29], $0x1  }
0xb4: {  	[sflag:s29] =	ssyncadd.s32 $0xFFFFFFFF  }
0xb5: {  	_ =	strace $0x90000048  }
0xb6: {  	_ =	sfence  }
0xb7: {  	s30 =	sld [smem:$0x0];
	_ =	sdelay $0x2  }
0xb8: {  	s31 =	sshll.u32 s1, $0xD;
	s1 =	sshrl.u32 s1, $0x2  }
0xb9: {  	s3 =	sand.u32 $0x4000, s31;
	s1 =	sadd.s32 s1, s30  }
0xba: {  	s0 =	sor.u32 s3, s0;
	s1 =	sshll.u32 s1, $0x11  }
0xbb: {  	s0 =	sor.u32 s1, s0  }
0xbc: {  	s0 =	sadd.s32 $0x8F2B, s0  }
0xbd: {  	[sflag:s0] =	ssyncadd.remote.s32 $0x1  }
0xbe: {  	_ =	sfence.sel $0xFFFF  }
0xbf: {  	[dreg:$0x0] =	wrdreg $0xFFFFFFFF;
	(pc) =	sbr.abs _section_cstart, $3  }
0xc0: {  	[dreg:$0x1] =	wrdreg $0xFFFFFFFF  }
0xc1: {  	_ =	task.clear_ibuf [dreg:s7], $0x2FFFF;
	_ =	strace $0x9FFFFFFF  }
0xc2: {  	(tm) =	ssettm $0x7FFFFFFF  }
0xc3: {  	_ =	shalt  }
tec
execute0_lowered:
.L_overlay_start_1:
0x0: {  	(tag) =	ssettag $0x1  }
0x1: {  	s4 =	rddreg [dreg:$0x0]  }
0x2: {  	s1 =	srdreg.scid;
	s0 =	stileid.u32  }
0x3: {  	s6 =	rddreg [dreg:$0x1];
	s2 =	simm.s32 $0x0;
	s10 =	simm.s32 $0x1  }
0x4: {  	s11 =	simm.s32 $0xC800;
	s5 =	sand.u32 $0x1, s1;
	s3 =	sshll.u32 s0, $0x1  }
0x5: {  	s12 =	simm.s32 $0x0;
	s1 =	rddreg [dreg:$0x2];
	s7 =	sor.u32 s5, s3  }
0x6: {  	[smem:$0x7FF] =	sst s2;
	s5 =	ssub.s32 $0x2, s5;
	s3 =	smul.u32 $0xC80, s7  }
0x7: {  	_ =	strace $0x80000047;
	s9 =	sshrl.u32 s5, $0x1;
	s7 =	sshll.u32 s7, $0x6  }
0x8: {  	s9 =	ssub.s32 s5, s9;
	s6 =	sadd.s32 s6, s7;
	s8 =	sadd.s32 s3, s4  }
0x9: {  	s3 =	sadd.s32 $0xA00, s4;
	s4 =	sadd.s32 $0x1FA00, s4;
	s7 =	smax.u32 s9, $0x1  }
0xa: {  	s9 =	simm.s32 $0x2;
	s5 =	sadd.s32 $0xF42E00, s8;
	s8 =	simm.s32 $0xCA00  }
.LBB2_1:
0xb: {  	[tilespmem:s8], [sflag:$0x2] =	stream.linear.gather [hbm4b:s4+s2], $0x80, $0x38;
	[tilespmem:$0xCA80] =	vst v63  }
0xc: {  	_ =	swait.ge [sflag:s9], $0x80  }
0xd: {  	[sflag:s9] =	ssyncset.done $0x0  }
0xe: {  	[sflag:s9] =	ssyncadd.s32 $0xFFFFFF80  }
0xf: {  	[tilespmem:s2], [sflag:$0x2] =	stream.linear.gather [hbm4b:s5+s2], $0x6400, $0x38;
	[tilespmem:$0xCA80] =	vst v63  }
0x10: {  	_ =	swait.ge [sflag:s9], $0x6400  }
0x11: {  	[sflag:s9] =	ssyncset.done $0x0  }
0x12: {  	s13 =	simm.s32 $0x6400;
	[sflag:s9] =	ssyncadd.s32 $0xFFFF9C00  }
0x13: {  	[tilespmem:s13], [sflag:$0x1] =	stream.indirect.gather [hbm4b:s3+s13], $0x1, s2, s13, $0xb8;
	[tilespmem:$0xCA80] =	vst v63  }
0x14: {  	_ =	swait.ge [sflag:s10], $0x6400  }
0x15: {  	[sflag:s10] =	ssyncset.done $0x0  }
0x16: {  	[sflag:s10] =	ssyncadd.s32 $0xFFFF9C00  }
0x17: {  	v0 =	vld [tilespmem:s13+$0x0]  }
0x18: {  	s31 =	sand.u32 $0x1F0, s2  }
0x19: {  	v1 =	vld [tilespmem:s31+$0x6600];
	_ =	sdelay $0x1  }
0x1a: {  	v2 =	vld [tilespmem:s31+$0x6800]  }
0x1b: {  	v0 =	vadd.f32 $0.0e+00, v0  }
0x1c: {  	v3 =	vld [tilespmem:s31+$0x6A00]  }
0x1d: {  	v0 =	vadd.f32 v1, v0  }
0x1e: {  	v1 =	vld [tilespmem:s31+$0x6C00]  }
0x1f: {  	v0 =	vadd.f32 v2, v0  }
0x20: {  	v2 =	vld [tilespmem:s31+$0x6E00]  }
0x21: {  	v0 =	vadd.f32 v3, v0  }
0x22: {  	v3 =	vld [tilespmem:s31+$0x7000]  }
0x23: {  	v0 =	vadd.f32 v1, v0  }
0x24: {  	v1 =	vld [tilespmem:s31+$0x7200]  }
0x25: {  	v0 =	vadd.f32 v2, v0  }
0x26: {  	v2 =	vld [tilespmem:s31+$0x7400]  }
0x27: {  	v0 =	vadd.f32 v3, v0  }
0x28: {  	v3 =	vld [tilespmem:s31+$0x7600]  }
0x29: {  	v0 =	vadd.f32 v1, v0  }
0x2a: {  	v1 =	vld [tilespmem:s31+$0x7800]  }
0x2b: {  	v0 =	vadd.f32 v2, v0  }
0x2c: {  	v2 =	vld [tilespmem:s31+$0x7A00]  }
0x2d: {  	v0 =	vadd.f32 v3, v0  }
0x2e: {  	v3 =	vld [tilespmem:s31+$0x7C00]  }
0x2f: {  	v0 =	vadd.f32 v1, v0  }
0x30: {  	v1 =	vld [tilespmem:s31+$0x7E00]  }
0x31: {  	v0 =	vadd.f32 v2, v0  }
0x32: {  	v2 =	vld [tilespmem:s31+$0x8000]  }
0x33: {  	v0 =	vadd.f32 v3, v0  }
0x34: {  	v3 =	vld [tilespmem:s31+$0x8200]  }
0x35: {  	v0 =	vadd.f32 v1, v0  }
0x36: {  	v1 =	vld [tilespmem:s31+$0x8400]  }
0x37: {  	v0 =	vadd.f32 v2, v0  }
0x38: {  	v2 =	vld [tilespmem:s31+$0x8600]  }
0x39: {  	v0 =	vadd.f32 v3, v0  }
0x3a: {  	v3 =	vld [tilespmem:s31+$0x8800]  }
0x3b: {  	v0 =	vadd.f32 v1, v0  }
0x3c: {  	v1 =	vld [tilespmem:s31+$0x8A00]  }
0x3d: {  	v0 =	vadd.f32 v2, v0  }
0x3e: {  	v2 =	vld [tilespmem:s31+$0x8C00]  }
0x3f: {  	v0 =	vadd.f32 v3, v0  }
0x40: {  	v3 =	vld [tilespmem:s31+$0x8E00]  }
0x41: {  	v0 =	vadd.f32 v1, v0  }
0x42: {  	v1 =	vld [tilespmem:s31+$0x9000]  }
0x43: {  	v0 =	vadd.f32 v2, v0  }
0x44: {  	v2 =	vld [tilespmem:s31+$0x9200]  }
0x45: {  	v0 =	vadd.f32 v3, v0  }
0x46: {  	v3 =	vld [tilespmem:s31+$0x9400]  }
0x47: {  	v0 =	vadd.f32 v1, v0  }
0x48: {  	v1 =	vld [tilespmem:s31+$0x9600]  }
0x49: {  	v0 =	vadd.f32 v2, v0  }
0x4a: {  	v2 =	vld [tilespmem:s31+$0x9800]  }
0x4b: {  	v0 =	vadd.f32 v3, v0  }
0x4c: {  	v3 =	vld [tilespmem:s31+$0x9A00]  }
0x4d: {  	v0 =	vadd.f32 v1, v0  }
0x4e: {  	v1 =	vld [tilespmem:s31+$0x9C00]  }
0x4f: {  	v0 =	vadd.f32 v2, v0  }
0x50: {  	v2 =	vld [tilespmem:s31+$0x9E00]  }
0x51: {  	v0 =	vadd.f32 v3, v0  }
0x52: {  	v3 =	vld [tilespmem:s31+$0xA000]  }
0x53: {  	v0 =	vadd.f32 v1, v0  }
0x54: {  	v1 =	vld [tilespmem:s31+$0xA200]  }
0x55: {  	v0 =	vadd.f32 v2, v0  }
0x56: {  	v2 =	vld [tilespmem:s31+$0xA400]  }
0x57: {  	v0 =	vadd.f32 v3, v0  }
0x58: {  	v3 =	vld [tilespmem:s31+$0xA600]  }
0x59: {  	v0 =	vadd.f32 v1, v0  }
0x5a: {  	v1 =	vld [tilespmem:s31+$0xA800]  }
0x5b: {  	v0 =	vadd.f32 v2, v0  }
0x5c: {  	v2 =	vld [tilespmem:s31+$0xAA00]  }
0x5d: {  	v0 =	vadd.f32 v3, v0  }
0x5e: {  	v3 =	vld [tilespmem:s31+$0xAC00]  }
0x5f: {  	v0 =	vadd.f32 v1, v0  }
0x60: {  	v1 =	vld [tilespmem:s31+$0xAE00]  }
0x61: {  	v0 =	vadd.f32 v2, v0  }
0x62: {  	v2 =	vld [tilespmem:s31+$0xB000]  }
0x63: {  	v0 =	vadd.f32 v3, v0  }
0x64: {  	v3 =	vld [tilespmem:s31+$0xB200]  }
0x65: {  	v0 =	vadd.f32 v1, v0  }
0x66: {  	v1 =	vld [tilespmem:s31+$0xB400]  }
0x67: {  	v0 =	vadd.f32 v2, v0  }
0x68: {  	v2 =	vld [tilespmem:s31+$0xB600]  }
0x69: {  	v0 =	vadd.f32 v3, v0  }
0x6a: {  	v3 =	vld [tilespmem:s31+$0xB800]  }
0x6b: {  	v0 =	vadd.f32 v1, v0  }
0x6c: {  	v1 =	vld [tilespmem:s31+$0xBA00]  }
0x6d: {  	v0 =	vadd.f32 v2, v0  }
0x6e: {  	v2 =	vld [tilespmem:s31+$0xBC00]  }
0x6f: {  	v0 =	vadd.f32 v3, v0  }
0x70: {  	v3 =	vld [tilespmem:s31+$0xBE00]  }
0x71: {  	v0 =	vadd.f32 v1, v0  }
0x72: {  	v1 =	vld [tilespmem:s31+$0xC000]  }
0x73: {  	v0 =	vadd.f32 v2, v0  }
0x74: {  	v2 =	vld [tilespmem:s31+$0xC200]  }
0x75: {  	v0 =	vadd.f32 v3, v0  }
0x76: {  	v3 =	vld [tilespmem:s31+$0xC400]  }
0x77: {  	v0 =	vadd.f32 v1, v0  }
0x78: {  	v1 =	vld [tilespmem:s31+$0xC600]  }
0x79: {  	v0 =	vadd.f32 v2, v0;
	_ =	sdelay $0x1  }
0x7a: {  	v2 =	vadd.f32 v3, v0  }
0x7b: {  	v0 =	vld [tilespmem:$0xCA00]  }
0x7c: {  	v1 =	vadd.f32 v1, v2;
	_ =	sdelay $0x1  }
0x7d: {  	v1 =	vmul.f32 $1.999999960e-02, v1;
	_ =	sdelay $0x1  }
0x7e: {  	v1 =	vadd.f32 v1, v0;
	_ =	sdelay $0x1  }
0x7f: {  	v1 =	vsub.f32 $0.0e+00, v1;
	_ =	sdelay $0x1  }
0x80: {  	v1 =	vmul.f32 $1.442695020e+00, v1;
	_ =	sdelay $0x1  }
0x81: {  	(erf) = vpow2.f32 v1;
	_ =	sdelay $0x8  }
0x82: {  	v1 =	vpop (erf)  }
0x83: {  	v1 =	vadd.f32 $1.000000000e+00, v1;
	_ =	sdelay $0x1  }
0x84: {  	(erf) = vrcp.f32 v1;
	_ =	sdelay $0x8  }
0x85: {  	v1 =	vpop (erf)  }
0x86: {  	s14 =	simm.s32 $0x6410;
	[tilespmem:s11+$0x0] =	vst v1  }
0x87: {  	s15 =	simm.s32 $0x10;
	s16 =	simm.s32 $0x20;
	s13 =	simm.s32 $0xC800;
	v1 =	vld [tilespmem:s14+$0x0]  }
.LBB2_2:
0x88: {  	p0 =	sne.s32 s16, $0x1F0;
	s17 =	sand.u32 $0x1F0, s15;
	s15 =	smov.u32 s16  }
0x89: {  	v2 =	vld [tilespmem:s17+$0x6600];
	_ =	sdelay $0x1  }
0x8a: {  	v3 =	vld [tilespmem:s17+$0x6800]  }
0x8b: {  	v1 =	vadd.f32 $0.0e+00, v1  }
0x8c: {  	v4 =	vld [tilespmem:s17+$0x6A00]  }
0x8d: {  	v1 =	vadd.f32 v2, v1  }
0x8e: {  	v2 =	vld [tilespmem:s17+$0x6C00]  }
0x8f: {  	v1 =	vadd.f32 v3, v1  }
0x90: {  	v3 =	vld [tilespmem:s17+$0x6E00]  }
0x91: {  	v1 =	vadd.f32 v4, v1  }
0x92: {  	v4 =	vld [tilespmem:s17+$0x7000]  }
0x93: {  	v1 =	vadd.f32 v2, v1  }
0x94: {  	v2 =	vld [tilespmem:s17+$0x7200]  }
0x95: {  	v1 =	vadd.f32 v3, v1  }
0x96: {  	v3 =	vld [tilespmem:s17+$0x7400]  }
0x97: {  	v1 =	vadd.f32 v4, v1  }
0x98: {  	v4 =	vld [tilespmem:s17+$0x7600]  }
0x99: {  	v1 =	vadd.f32 v2, v1  }
0x9a: {  	v2 =	vld [tilespmem:s17+$0x7800]  }
0x9b: {  	v1 =	vadd.f32 v3, v1  }
0x9c: {  	v3 =	vld [tilespmem:s17+$0x7A00]  }
0x9d: {  	v1 =	vadd.f32 v4, v1  }
0x9e: {  	v4 =	vld [tilespmem:s17+$0x7C00]  }
0x9f: {  	v1 =	vadd.f32 v2, v1  }
0xa0: {  	v2 =	vld [tilespmem:s17+$0x7E00]  }
0xa1: {  	v1 =	vadd.f32 v3, v1  }
0xa2: {  	v3 =	vld [tilespmem:s17+$0x8000]  }
0xa3: {  	v1 =	vadd.f32 v4, v1  }
0xa4: {  	v4 =	vld [tilespmem:s17+$0x8200]  }
0xa5: {  	v1 =	vadd.f32 v2, v1  }
0xa6: {  	v2 =	vld [tilespmem:s17+$0x8400]  }
0xa7: {  	v1 =	vadd.f32 v3, v1  }
0xa8: {  	v3 =	vld [tilespmem:s17+$0x8600]  }
0xa9: {  	v1 =	vadd.f32 v4, v1  }
0xaa: {  	v4 =	vld [tilespmem:s17+$0x8800]  }
0xab: {  	v1 =	vadd.f32 v2, v1  }
0xac: {  	v2 =	vld [tilespmem:s17+$0x8A00]  }
0xad: {  	v1 =	vadd.f32 v3, v1  }
0xae: {  	v3 =	vld [tilespmem:s17+$0x8C00]  }
0xaf: {  	v1 =	vadd.f32 v4, v1  }
0xb0: {  	v4 =	vld [tilespmem:s17+$0x8E00]  }
0xb1: {  	v1 =	vadd.f32 v2, v1  }
0xb2: {  	v2 =	vld [tilespmem:s17+$0x9000]  }
0xb3: {  	v1 =	vadd.f32 v3, v1  }
0xb4: {  	v3 =	vld [tilespmem:s17+$0x9200]  }
0xb5: {  	v1 =	vadd.f32 v4, v1  }
0xb6: {  	v4 =	vld [tilespmem:s17+$0x9400]  }
0xb7: {  	v1 =	vadd.f32 v2, v1  }
0xb8: {  	v2 =	vld [tilespmem:s17+$0x9600]  }
0xb9: {  	v1 =	vadd.f32 v3, v1  }
0xba: {  	v3 =	vld [tilespmem:s17+$0x9800]  }
0xbb: {  	v1 =	vadd.f32 v4, v1  }
0xbc: {  	v4 =	vld [tilespmem:s17+$0x9A00]  }
0xbd: {  	v1 =	vadd.f32 v2, v1  }
0xbe: {  	v2 =	vld [tilespmem:s17+$0x9C00]  }
0xbf: {  	v1 =	vadd.f32 v3, v1  }
0xc0: {  	v3 =	vld [tilespmem:s17+$0x9E00]  }
0xc1: {  	v1 =	vadd.f32 v4, v1  }
0xc2: {  	v4 =	vld [tilespmem:s17+$0xA000]  }
0xc3: {  	v1 =	vadd.f32 v2, v1  }
0xc4: {  	v2 =	vld [tilespmem:s17+$0xA200]  }
0xc5: {  	v1 =	vadd.f32 v3, v1  }
0xc6: {  	v3 =	vld [tilespmem:s17+$0xA400]  }
0xc7: {  	v1 =	vadd.f32 v4, v1  }
0xc8: {  	v4 =	vld [tilespmem:s17+$0xA600]  }
0xc9: {  	v1 =	vadd.f32 v2, v1  }
0xca: {  	v2 =	vld [tilespmem:s17+$0xA800]  }
0xcb: {  	v1 =	vadd.f32 v3, v1  }
0xcc: {  	v3 =	vld [tilespmem:s17+$0xAA00]  }
0xcd: {  	v1 =	vadd.f32 v4, v1  }
0xce: {  	v4 =	vld [tilespmem:s17+$0xAC00]  }
0xcf: {  	v1 =	vadd.f32 v2, v1  }
0xd0: {  	v2 =	vld [tilespmem:s17+$0xAE00]  }
0xd1: {  	v1 =	vadd.f32 v3, v1  }
0xd2: {  	v3 =	vld [tilespmem:s17+$0xB000]  }
0xd3: {  	v1 =	vadd.f32 v4, v1  }
0xd4: {  	v4 =	vld [tilespmem:s17+$0xB200]  }
0xd5: {  	v1 =	vadd.f32 v2, v1  }
0xd6: {  	v2 =	vld [tilespmem:s17+$0xB400]  }
0xd7: {  	v1 =	vadd.f32 v3, v1  }
0xd8: {  	v3 =	vld [tilespmem:s17+$0xB600]  }
0xd9: {  	v1 =	vadd.f32 v4, v1  }
0xda: {  	v4 =	vld [tilespmem:s17+$0xB800]  }
0xdb: {  	v1 =	vadd.f32 v2, v1  }
0xdc: {  	v2 =	vld [tilespmem:s17+$0xBA00]  }
0xdd: {  	v1 =	vadd.f32 v3, v1  }
0xde: {  	v3 =	vld [tilespmem:s17+$0xBC00]  }
0xdf: {  	v1 =	vadd.f32 v4, v1  }
0xe0: {  	v4 =	vld [tilespmem:s17+$0xBE00]  }
0xe1: {  	v1 =	vadd.f32 v2, v1  }
0xe2: {  	v2 =	vld [tilespmem:s17+$0xC000]  }
0xe3: {  	v1 =	vadd.f32 v3, v1  }
0xe4: {  	v3 =	vld [tilespmem:s17+$0xC200]  }
0xe5: {  	v1 =	vadd.f32 v4, v1  }
0xe6: {  	v4 =	vld [tilespmem:s17+$0xC400]  }
0xe7: {  	v1 =	vadd.f32 v2, v1  }
0xe8: {  	v2 =	vld [tilespmem:s17+$0xC600]  }
0xe9: {  	v1 =	vadd.f32 v3, v1;
	_ =	sdelay $0x1  }
0xea: {  	v1 =	vadd.f32 v4, v1;
	_ =	sdelay $0x1  }
0xeb: {  	v1 =	vadd.f32 v2, v1;
	_ =	sdelay $0x1  }
0xec: {  	v1 =	vmul.f32 $1.999999960e-02, v1;
	_ =	sdelay $0x1  }
0xed: {  	v1 =	vadd.f32 v1, v0;
	_ =	sdelay $0x1  }
0xee: {  	v1 =	vsub.f32 $0.0e+00, v1;
	_ =	sdelay $0x1  }
0xef: {  	v1 =	vmul.f32 $1.442695020e+00, v1;
	_ =	sdelay $0x1  }
0xf0: {  	(erf) = vpow2.f32 v1;
	_ =	sdelay $0x8  }
0xf1: {  	v1 =	vpop (erf)  }
0xf2: {  	v1 =	vadd.f32 $1.000000000e+00, v1;
	_ =	sdelay $0x1  }
0xf3: {  	(erf) = vrcp.f32 v1;
	_ =	sdelay $0x6  }
.Ltmp0:
0xf4: {  	(pc) =	sbr.rel @p0 .LBB2_2-.Ltmp0, $4  }
0xf5: {  	_ = 	snop  }
0xf6: {  	s13 =	sadd.s32 $0x10, s13;
	v1 =	vpop (erf)  }
0xf7: {  	s14 =	sadd.s32 $0x10, s14;
	[tilespmem:s13+$0x0] =	vst v1  }
0xf8: {  	s16 =	sadd.s32 $0x10, s16;
	v1 =	vld [tilespmem:s14+$0x0]  }
0xf9: {  	s14 =	sand.u32 $0x1F0, s15  }
0xfa: {  	v2 =	vld [tilespmem:s14+$0x6600];
	_ =	sdelay $0x1  }
0xfb: {  	v3 =	vld [tilespmem:s14+$0x6800]  }
0xfc: {  	v1 =	vadd.f32 $0.0e+00, v1  }
0xfd: {  	v4 =	vld [tilespmem:s14+$0x6A00]  }
0xfe: {  	v1 =	vadd.f32 v2, v1  }
0xff: {  	v18 =	vld [tilespmem:s14+$0x6C00]  }
0x100: {  	v1 =	vadd.f32 v3, v1  }
0x101: {  	v19 =	vld [tilespmem:s14+$0x6E00]  }
0x102: {  	v1 =	vadd.f32 v4, v1  }
0x103: {  	v20 =	vld [tilespmem:s14+$0x7000]  }
0x104: {  	v1 =	vadd.f32 v18, v1  }
0x105: {  	v21 =	vld [tilespmem:s14+$0x7200]  }
0x106: {  	v1 =	vadd.f32 v19, v1  }
0x107: {  	v22 =	vld [tilespmem:s14+$0x7400]  }
0x108: {  	v1 =	vadd.f32 v20, v1  }
0x109: {  	v23 =	vld [tilespmem:s14+$0x7600]  }
0x10a: {  	v1 =	vadd.f32 v21, v1  }
0x10b: {  	v24 =	vld [tilespmem:s14+$0x7800]  }
0x10c: {  	v1 =	vadd.f32 v22, v1  }
0x10d: {  	v25 =	vld [tilespmem:s14+$0x7A00]  }
0x10e: {  	v1 =	vadd.f32 v23, v1  }
0x10f: {  	v26 =	vld [tilespmem:s14+$0x7C00]  }
0x110: {  	v1 =	vadd.f32 v24, v1  }
0x111: {  	v27 =	vld [tilespmem:s14+$0x7E00]  }
0x112: {  	v1 =	vadd.f32 v25, v1  }
0x113: {  	v28 =	vld [tilespmem:s14+$0x8000]  }
0x114: {  	v1 =	vadd.f32 v26, v1  }
0x115: {  	v29 =	vld [tilespmem:s14+$0x8200]  }
0x116: {  	v1 =	vadd.f32 v27, v1  }
0x117: {  	v30 =	vld [tilespmem:s14+$0x8400]  }
0x118: {  	v1 =	vadd.f32 v28, v1  }
0x119: {  	v31 =	vld [tilespmem:s14+$0x8600]  }
0x11a: {  	v1 =	vadd.f32 v29, v1  }
0x11b: {  	v32 =	vld [tilespmem:s14+$0x8800]  }
0x11c: {  	v1 =	vadd.f32 v30, v1  }
0x11d: {  	v33 =	vld [tilespmem:s14+$0x8A00]  }
0x11e: {  	v1 =	vadd.f32 v31, v1  }
0x11f: {  	v34 =	vld [tilespmem:s14+$0x8C00]  }
0x120: {  	v1 =	vadd.f32 v32, v1  }
0x121: {  	v35 =	vld [tilespmem:s14+$0x8E00]  }
0x122: {  	v1 =	vadd.f32 v33, v1  }
0x123: {  	v36 =	vld [tilespmem:s14+$0x9000]  }
0x124: {  	v1 =	vadd.f32 v34, v1  }
0x125: {  	v37 =	vld [tilespmem:s14+$0x9200]  }
0x126: {  	v1 =	vadd.f32 v35, v1  }
0x127: {  	v38 =	vld [tilespmem:s14+$0x9400]  }
0x128: {  	v1 =	vadd.f32 v36, v1  }
0x129: {  	v39 =	vld [tilespmem:s14+$0x9600]  }
0x12a: {  	v1 =	vadd.f32 v37, v1  }
0x12b: {  	v40 =	vld [tilespmem:s14+$0x9800]  }
0x12c: {  	v1 =	vadd.f32 v38, v1  }
0x12d: {  	v41 =	vld [tilespmem:s14+$0x9A00]  }
0x12e: {  	v1 =	vadd.f32 v39, v1  }
0x12f: {  	v42 =	vld [tilespmem:s14+$0x9C00]  }
0x130: {  	v1 =	vadd.f32 v40, v1  }
0x131: {  	v43 =	vld [tilespmem:s14+$0x9E00]  }
0x132: {  	v1 =	vadd.f32 v41, v1  }
0x133: {  	v44 =	vld [tilespmem:s14+$0xA000]  }
0x134: {  	v1 =	vadd.f32 v42, v1  }
0x135: {  	v45 =	vld [tilespmem:s14+$0xA200]  }
0x136: {  	v1 =	vadd.f32 v43, v1  }
0x137: {  	v46 =	vld [tilespmem:s14+$0xA400]  }
0x138: {  	v1 =	vadd.f32 v44, v1  }
0x139: {  	v47 =	vld [tilespmem:s14+$0xA600]  }
0x13a: {  	v1 =	vadd.f32 v45, v1  }
0x13b: {  	v48 =	vld [tilespmem:s14+$0xA800]  }
0x13c: {  	v1 =	vadd.f32 v46, v1  }
0x13d: {  	v49 =	vld [tilespmem:s14+$0xAA00]  }
0x13e: {  	v1 =	vadd.f32 v47, v1  }
0x13f: {  	v50 =	vld [tilespmem:s14+$0xAC00]  }
0x140: {  	v1 =	vadd.f32 v48, v1  }
0x141: {  	v51 =	vld [tilespmem:s14+$0xAE00]  }
0x142: {  	v1 =	vadd.f32 v49, v1  }
0x143: {  	v52 =	vld [tilespmem:s14+$0xB000]  }
0x144: {  	v1 =	vadd.f32 v50, v1  }
0x145: {  	v53 =	vld [tilespmem:s14+$0xB200]  }
0x146: {  	v1 =	vadd.f32 v51, v1  }
0x147: {  	v54 =	vld [tilespmem:s14+$0xB400]  }
0x148: {  	v1 =	vadd.f32 v52, v1  }
0x149: {  	v55 =	vld [tilespmem:s14+$0xB600]  }
0x14a: {  	v1 =	vadd.f32 v53, v1  }
0x14b: {  	v56 =	vld [tilespmem:s14+$0xB800]  }
0x14c: {  	v1 =	vadd.f32 v54, v1  }
0x14d: {  	v57 =	vld [tilespmem:s14+$0xBA00]  }
0x14e: {  	v1 =	vadd.f32 v55, v1  }
0x14f: {  	v58 =	vld [tilespmem:s14+$0xBC00]  }
0x150: {  	v1 =	vadd.f32 v56, v1  }
0x151: {  	v59 =	vld [tilespmem:s14+$0xBE00]  }
0x152: {  	v1 =	vadd.f32 v57, v1  }
0x153: {  	v60 =	vld [tilespmem:s14+$0xC000]  }
0x154: {  	v1 =	vadd.f32 v58, v1  }
0x155: {  	v61 =	vld [tilespmem:s14+$0xC200]  }
0x156: {  	v1 =	vadd.f32 v59, v1  }
0x157: {  	v62 =	vld [tilespmem:s14+$0xC400]  }
0x158: {  	v1 =	vadd.f32 v60, v1  }
0x159: {  	v63 =	vld [tilespmem:s14+$0xC600]  }
0x15a: {  	v1 =	vadd.f32 v61, v1;
	_ =	sdelay $0x1  }
0x15b: {  	v1 =	vadd.f32 v62, v1;
	_ =	sdelay $0x1  }
0x15c: {  	v1 =	vadd.f32 v63, v1;
	_ =	sdelay $0x1  }
0x15d: {  	v1 =	vmul.f32 $1.999999960e-02, v1;
	_ =	sdelay $0x1  }
0x15e: {  	v0 =	vadd.f32 v1, v0;
	_ =	sdelay $0x1  }
0x15f: {  	v0 =	vsub.f32 $0.0e+00, v0;
	_ =	sdelay $0x1  }
0x160: {  	v0 =	vmul.f32 $1.442695020e+00, v0;
	_ =	sdelay $0x1  }
0x161: {  	(erf) = vpow2.f32 v0;
	_ =	sdelay $0x8  }
0x162: {  	v0 =	vpop (erf)  }
0x163: {  	v0 =	vadd.f32 $1.000000000e+00, v0;
	_ =	sdelay $0x1  }
0x164: {  	(erf) = vrcp.f32 v0;
	_ =	sdelay $0x7  }
0x165: {  	s12 =	sadd.s32 $0x1, s12  }
0x166: {  	s13 =	sadd.s32 $0x10, s13;
	p0 =	sne.s32 s12, s7;
	v0 =	vpop (erf)  }
.Ltmp1:
0x167: {  	[tilespmem:s13+$0x0] =	vst v0;
	(pc) =	sbr.rel @p0 .LBB2_1-.Ltmp1, $4  }
0x168: {  	[hbm4b:s6+s2] =	stream.linear.scatter [tilespmem:s11], [sflag:$0x2], $0x200, $0x38;
	[tilespmem:$0xCA80] =	vst v63  }
0x169: {  	_ =	swait.ge [sflag:s9], $0x200  }
0x16a: {  	[sflag:s9] =	ssyncset.done $0x0  }
0x16b: {  	[sflag:s9] =	ssyncadd.s32 $0xFFFFFE00  }
0x16c: {  	_ =	sfence.sel $0x180000  }
0x16d: {  	[bflag:$0x0] =	sbarrier.arrive $0xFFFF  }
0x16e: {  	p0 =	sne.s32 s0, $0x0;
	_ =	strace $0x90000047  }
0x16f: {  	s0 =	sadd.s32 @!p0 $0x100000, s1;
	[bflag:$0x2] =	sbarrier.arrive $0xFFFF  }
0x170: {  	[sflag:s0] =	ssyncadd.tile.s32 @!p0 $0x1;
	_ =	shalt  }
.Lfunc_end2:
_tile_overlayer_lowered:
.L_overlay_start_2:
0x171: {  	(tag) =	ssettag $0x2  }
0x172: {  	s0 =	rddreg [dreg:$0x0];
	s2 =	stileid.u32  }
0x173: {  	s1 =	rddreg [dreg:$0x1];
	p0 =	sne.s32 s2, $0x0  }
0x174: {  	s3 =	rddreg [dreg:$0x2];
	[bflag:$0x3] =	sbarrier.arrive $0xFFFF;
	s2 =	simm.s32 @!p0 $0x1C02  }
0x175: {  	[timem:s3], [sflag:s2] =	dma.local @!p0 [hbm:s0], s1  }
0x176: {  	s0 =	simm.s32 @!p0 $0x2  }
0x177: {  	_ =	swait.ge @!p0 [sflag:s0], s1  }
0x178: {  	s1 =	ssub.s32 @!p0 $0x0, s1;
	[sflag:s0] =	ssyncset.done @!p0 $0x0  }
0x179: {  	[sflag:s0] =	ssyncadd.s32 @!p0 s1  }
0x17a: {  	[bflag:$0x3] =	sbarrier.arrive $0xFFFF  }
0x17b: {  	_ =	shalt  }

</sc_bundles>
